<compile_context>
chip_gen: v7x
topology: tpu7x:2x2x1
jax: 0.10.2.dev20260603
libtpu: 0.0.44.dev20260713+nightly
codegen_flags: <defaults>
</compile_context>

<pallas_src>
import functools

import jax
import jax.numpy as jnp
from jax import lax
from jax.experimental import pallas as pl
from jax.experimental.pallas import tpu as pltpu
from jax.experimental.pallas import tpu_sc as plsc

_N = 10000
_E = 320000
_D = 128
_NC, _NS = 2, 16
_NW = _NC * _NS
_EPW = _E // _NW
_L = 16
_UNROLL = 5


def _sc_ego_weights(ei_flat, wts):
    mesh = plsc.VectorSubcoreMesh(
        core_axis_name="c", subcore_axis_name="s",
        num_cores=_NC, num_subcores=_NS)

    @functools.partial(
        pl.kernel,
        out_type=jax.ShapeDtypeStruct((_NW, _N), jnp.float32),
        mesh=mesh,
        compiler_params=pltpu.CompilerParams(needs_layout_passes=False),
        scratch_types=[
            pltpu.VMEM((_EPW,), jnp.int32),
            pltpu.VMEM((_EPW,), jnp.int32),
            pltpu.VMEM((_EPW,), jnp.float32),
            pltpu.VMEM((_N,), jnp.float32),
            pltpu.SemaphoreType.DMA,
            pltpu.SemaphoreType.DMA,
            pltpu.SemaphoreType.DMA,
        ],
    )
    def k(ei_hbm, w_hbm, out_hbm, src_v, dst_v, w_v, acc_v, s0, s1, s2):
        wid = lax.axis_index("s") * _NC + lax.axis_index("c")
        base = wid * _EPW
        cp_s = pltpu.async_copy(ei_hbm.at[pl.ds(base, _EPW)], src_v, s0)
        cp_d = pltpu.async_copy(ei_hbm.at[pl.ds(_E + base, _EPW)], dst_v, s1)
        cp_w = pltpu.async_copy(w_hbm.at[pl.ds(base, _EPW)], w_v, s2)

        zeros = jnp.zeros((_L,), jnp.float32)

        @plsc.parallel_loop(0, _N // _L, unroll=8)
        def _zero(i):
            acc_v[pl.ds(i * _L, _L)] = zeros

        cp_s.wait()
        cp_d.wait()
        cp_w.wait()

        @plsc.parallel_loop(0, _EPW // _L, unroll=_UNROLL)
        def _scan(i):
            off = i * _L
            d = dst_v[pl.ds(off, _L)]
            s = src_v[pl.ds(off, _L)]
            w = w_v[pl.ds(off, _L)]
            plsc.addupdate_scatter(acc_v, [s], w, mask=(d == 0))

        pltpu.sync_copy(acc_v, out_hbm.at[wid])

    return k(ei_flat, wts)


def _tc_embed(x, w_fc, b_fc):

    def body(x_ref, wfc_ref, bfc_ref, y_ref):
        y = lax.dot_general(x_ref[...], wfc_ref[...],
                            (((1,), (1,)), ((), ())),
                            preferred_element_type=jnp.float32)
        y_ref[...] = jnp.maximum(y + bfc_ref[...], 0.0).astype(jnp.bfloat16)

    return pl.pallas_call(
        body,
        out_shape=jax.ShapeDtypeStruct((_N, _D), jnp.bfloat16),
    )(x, w_fc, b_fc.reshape(1, _D))


def _tc_final(y, wp, w_agg, b_agg):

    def body(y_ref, wp_ref, wagg_ref, bagg_ref, out_ref):
        wrow = jnp.sum(wp_ref[...], axis=0, keepdims=True)
        acc = lax.dot_general(wrow, y_ref[...].astype(jnp.float32),
                              (((1,), (0,)), ((), ())),
                              preferred_element_type=jnp.float32)
        r = jnp.maximum(acc, 0.0)
        out_ref[...] = lax.dot_general(r, wagg_ref[...],
                                       (((1,), (1,)), ((), ())),
                                       preferred_element_type=jnp.float32
                                       ) + bagg_ref[...]

    return pl.pallas_call(
        body,
        out_shape=jax.ShapeDtypeStruct((1, _D), jnp.float32),
    )(y, wp, w_agg, b_agg.reshape(1, _D))


def kernel(node_features, edge_index, edge_weights, W_fc, b_fc, W_agg, b_agg):
    ei = edge_index.astype(jnp.int32)
    wp = _sc_ego_weights(ei.reshape(2 * _E), edge_weights)
    y = _tc_embed(node_features, W_fc, b_fc)
    out = _tc_final(y, wp, W_agg, b_agg)
    return out.reshape(_D)

# --- scband reference (transcript-rebuilt; emitter-appended) ---
"""Pipeline reference for scband-influence-encoder-76656576299328 (READ-ONLY COPY).

The authoritative reference and input builder live on the scoring server;
editing this copy changes nothing except your own understanding.
"""

import jax, jax.numpy as jnp
import numpy as np

N_NODES = 10000
N_EDGES = 320000
IN_DIM = 128
HID_DIM = 128
EGO_INDEX = 0


def setup_inputs(seed: int = 0) -> dict:
    key = jax.random.key(seed)
    k1, k2, k3, k4, k5, k6, k7 = jax.random.split(key, 7)
    node_features = jax.random.normal(k1, (N_NODES, IN_DIM), dtype=jnp.float32)
    edge_index = jax.random.randint(k2, (2, N_EDGES), 0, N_NODES, dtype=jnp.int64)
    edge_weights = jax.random.uniform(k3, (N_EDGES,), dtype=jnp.float32)
    # Parameters (torch nn.Linear: y = x @ W.T + b)
    lim1 = 1.0 / np.sqrt(IN_DIM)
    W_fc = jax.random.uniform(k4, (HID_DIM, IN_DIM), minval=-lim1, maxval=lim1, dtype=jnp.float32)
    b_fc = jax.random.uniform(k5, (HID_DIM,), minval=-lim1, maxval=lim1, dtype=jnp.float32)
    lim2 = 1.0 / np.sqrt(HID_DIM)
    W_agg = jax.random.uniform(k6, (HID_DIM, HID_DIM), minval=-lim2, maxval=lim2, dtype=jnp.float32)
    b_agg = jax.random.uniform(k7, (HID_DIM,), minval=-lim2, maxval=lim2, dtype=jnp.float32)
    return {
        "node_features": node_features,
        "edge_index": edge_index,
        "edge_weights": edge_weights,
        "W_fc": W_fc,
        "b_fc": b_fc,
        "W_agg": W_agg,
        "b_agg": b_agg,
    }


def reference(node_features, edge_index, edge_weights, W_fc, b_fc, W_agg, b_agg):
    # embeddings = relu(fc(node_features))
    embeddings = jnp.maximum(node_features @ W_fc.T + b_fc, 0.0)
    # aggregated[dest] += edge_weights[i] * embeddings[src]  (vectorized scatter-add)
    src = edge_index[0]
    dst = edge_index[1]
    messages = edge_weights[:, None] * jnp.take(embeddings, src, axis=0)
    aggregated = jnp.zeros_like(embeddings).at[dst].add(messages)
    # ego_index = node_names.index('Ego') -> fixed to index 0 (undefined global in source)
    influence_vector = jnp.maximum(aggregated[EGO_INDEX], 0.0) @ W_agg.T + b_agg
    return influence_vector

if __name__ == "__main__":
    import jax
    _d = setup_inputs()
    print(jax.jit(kernel)(*tuple(_d.values())))

</pallas_src>

<mosaic_0001>
#map = affine_map<(d0, d1) -> (0)>
#map1 = affine_map<(d0, d1) -> (0, 0)>
module attributes {stable_mosaic.version = 14 : i64} {
  func.func @k(%arg0: i32, %arg1: i32, %arg2: memref<640000xi32, #tpu.memory_space<hbm>>, %arg3: memref<320000xf32, #tpu.memory_space<hbm>>, %arg4: memref<32x10000xf32, #tpu.memory_space<hbm>>, %arg5: memref<10000xi32, #tpu.memory_space<vmem>>, %arg6: memref<10000xi32, #tpu.memory_space<vmem>>, %arg7: memref<10000xf32, #tpu.memory_space<vmem>>, %arg8: memref<10000xf32, #tpu.memory_space<vmem>>, %arg9: memref<!tpu.dma_semaphore, #tpu.memory_space<semaphore_mem>>, %arg10: memref<!tpu.dma_semaphore, #tpu.memory_space<semaphore_mem>>, %arg11: memref<!tpu.dma_semaphore, #tpu.memory_space<semaphore_mem>>) attributes {dimension_semantics = [#tpu.dimension_semantics<core_parallel>, #tpu.dimension_semantics<subcore_parallel>], iteration_bounds = array<i64: 2, 16>, scalar_prefetch = 0 : i64, scratch_operands = 7 : i64, tpu.core_type = #tpu.core_type<sc_vector_subcore>, window_params = [{transform_indices = #map}, {transform_indices = #map}, {transform_indices = #map1}]} {
    %mul3A = arith.constant 2 : i32
    %mul3A_0 = arith.muli %arg1, %mul3A : i32
    %add3A = arith.addi %mul3A_0, %arg0 : i32
    %mul3A_1 = arith.constant 10000 : i32
    %mul3A_2 = arith.muli %add3A, %mul3A_1 : i32
    %dma_start3A = tpu.memref_slice %arg2[%mul3A_2] : memref<640000xi32, #tpu.memory_space<hbm>> -> memref<10000xi32, #tpu.memory_space<hbm>>
    %dma_start3A_3 = tpu.memref_slice %arg2[%mul3A_2] : memref<640000xi32, #tpu.memory_space<hbm>> -> memref<10000xi32, #tpu.memory_space<hbm>>
    tpu.enqueue_dma source(%dma_start3A_3 : memref<10000xi32, #tpu.memory_space<hbm>>) target(%arg5 : memref<10000xi32, #tpu.memory_space<vmem>>) target_semaphore(%arg9 : memref<!tpu.dma_semaphore, #tpu.memory_space<semaphore_mem>>)
    %add3A_4 = arith.constant 320000 : i32
    %add3A_5 = arith.addi %add3A_4, %mul3A_2 : i32
    %dma_start3A_6 = tpu.memref_slice %arg2[%add3A_5] : memref<640000xi32, #tpu.memory_space<hbm>> -> memref<10000xi32, #tpu.memory_space<hbm>>
    %dma_start3A_7 = tpu.memref_slice %arg2[%add3A_5] : memref<640000xi32, #tpu.memory_space<hbm>> -> memref<10000xi32, #tpu.memory_space<hbm>>
    tpu.enqueue_dma source(%dma_start3A_7 : memref<10000xi32, #tpu.memory_space<hbm>>) target(%arg6 : memref<10000xi32, #tpu.memory_space<vmem>>) target_semaphore(%arg10 : memref<!tpu.dma_semaphore, #tpu.memory_space<semaphore_mem>>)
    %dma_start3A_8 = tpu.memref_slice %arg3[%mul3A_2] : memref<320000xf32, #tpu.memory_space<hbm>> -> memref<10000xf32, #tpu.memory_space<hbm>>
    %dma_start3A_9 = tpu.memref_slice %arg3[%mul3A_2] : memref<320000xf32, #tpu.memory_space<hbm>> -> memref<10000xf32, #tpu.memory_space<hbm>>
    tpu.enqueue_dma source(%dma_start3A_9 : memref<10000xf32, #tpu.memory_space<hbm>>) target(%arg7 : memref<10000xf32, #tpu.memory_space<vmem>>) target_semaphore(%arg11 : memref<!tpu.dma_semaphore, #tpu.memory_space<semaphore_mem>>)
    %broadcast_in_dim3A = arith.constant 0.000000e+00 : f32
    %broadcast_in_dim3A_10 = vector.broadcast %broadcast_in_dim3A : f32 to vector<16xf32>
    %parallel_loop3A = arith.constant 0 : i32
    %parallel_loop3A_11 = arith.constant 625 : i32
    %parallel_loop3A_12 = arith.constant 1 : i32
    scf.for %parallel_loop3A_21 = %parallel_loop3A to %parallel_loop3A_11 step %parallel_loop3A_12  : i32 {
      %parallel_loop3A_22 = arith.constant 16 : i32
      %parallel_loop3A_23 = arith.muli %parallel_loop3A_21, %parallel_loop3A_22 : i32
      %parallel_loop3A_24 = arith.index_cast %parallel_loop3A_23 : i32 to index
      %parallel_loop3A_25 = tpu.vector_load %arg8[%parallel_loop3A_24] {strides = array<i32>} : memref<10000xf32, #tpu.memory_space<vmem>>, vector<16xf32>,
      tpu.vector_store %arg8[%parallel_loop3A_24], %broadcast_in_dim3A_10 {strides = array<i32>} : memref<10000xf32, #tpu.memory_space<vmem>>, vector<16xf32>,
    } {sc.loop_unroll_factor = 8 : i64, sc.parallel_access}
    %dma_wait3A = tpu.memref_slice %arg2[%mul3A_2] : memref<640000xi32, #tpu.memory_space<hbm>> -> memref<10000xi32, #tpu.memory_space<hbm>>
    %dma_wait3A_13 = tpu.memref_slice %arg2[%mul3A_2] : memref<640000xi32, #tpu.memory_space<hbm>> -> memref<10000xi32, #tpu.memory_space<hbm>>
    tpu.wait_dma2 semaphore(%arg9 : memref<!tpu.dma_semaphore, #tpu.memory_space<semaphore_mem>>) src(%dma_wait3A_13 : memref<10000xi32, #tpu.memory_space<hbm>>) dst(%arg5 : memref<10000xi32, #tpu.memory_space<vmem>>)
    %dma_wait3A_14 = tpu.memref_slice %arg2[%add3A_5] : memref<640000xi32, #tpu.memory_space<hbm>> -> memref<10000xi32, #tpu.memory_space<hbm>>
    %dma_wait3A_15 = tpu.memref_slice %arg2[%add3A_5] : memref<640000xi32, #tpu.memory_space<hbm>> -> memref<10000xi32, #tpu.memory_space<hbm>>
    tpu.wait_dma2 semaphore(%arg10 : memref<!tpu.dma_semaphore, #tpu.memory_space<semaphore_mem>>) src(%dma_wait3A_15 : memref<10000xi32, #tpu.memory_space<hbm>>) dst(%arg6 : memref<10000xi32, #tpu.memory_space<vmem>>)
    %dma_wait3A_16 = tpu.memref_slice %arg3[%mul3A_2] : memref<320000xf32, #tpu.memory_space<hbm>> -> memref<10000xf32, #tpu.memory_space<hbm>>
    %dma_wait3A_17 = tpu.memref_slice %arg3[%mul3A_2] : memref<320000xf32, #tpu.memory_space<hbm>> -> memref<10000xf32, #tpu.memory_space<hbm>>
    tpu.wait_dma2 semaphore(%arg11 : memref<!tpu.dma_semaphore, #tpu.memory_space<semaphore_mem>>) src(%dma_wait3A_17 : memref<10000xf32, #tpu.memory_space<hbm>>) dst(%arg7 : memref<10000xf32, #tpu.memory_space<vmem>>)
    %parallel_loop3A_18 = arith.constant 0 : i32
    %parallel_loop3A_19 = arith.constant 625 : i32
    %parallel_loop3A_20 = arith.constant 1 : i32
    scf.for %parallel_loop3A_21 = %parallel_loop3A_18 to %parallel_loop3A_19 step %parallel_loop3A_20  : i32 {
      %parallel_loop3A_22 = arith.constant 16 : i32
      %parallel_loop3A_23 = arith.muli %parallel_loop3A_21, %parallel_loop3A_22 : i32
      %parallel_loop3A_24 = arith.index_cast %parallel_loop3A_23 : i32 to index
      %parallel_loop3A_25 = tpu.vector_load %arg6[%parallel_loop3A_24] {strides = array<i32>} : memref<10000xi32, #tpu.memory_space<vmem>>, vector<16xi32>,
      %parallel_loop3A_26 = arith.index_cast %parallel_loop3A_23 : i32 to index
      %parallel_loop3A_27 = tpu.vector_load %arg5[%parallel_loop3A_26] {strides = array<i32>} : memref<10000xi32, #tpu.memory_space<vmem>>, vector<16xi32>,
      %parallel_loop3A_28 = arith.index_cast %parallel_loop3A_23 : i32 to index
      %parallel_loop3A_29 = tpu.vector_load %arg7[%parallel_loop3A_28] {strides = array<i32>} : memref<10000xf32, #tpu.memory_space<vmem>>, vector<16xf32>,
      %parallel_loop3A_30 = arith.constant 0 : i32
      %parallel_loop3A_31 = vector.broadcast %parallel_loop3A_30 : i32 to vector<16xi32>
      %parallel_loop3A_32 = arith.cmpi eq, %parallel_loop3A_25, %parallel_loop3A_31 : vector<16xi32>
      tpu.vector_store_idx %arg8[%parallel_loop3A_27], %parallel_loop3A_29 masked %parallel_loop3A_32 {add = true} : memref<10000xf32, #tpu.memory_space<vmem>>[vector<16xi32>], vector<16xf32>, vector<16xi1>
    } {sc.loop_unroll_factor = 5 : i64, sc.parallel_access}
    "tpu.region"() ({
      %run_scoped3A = tpu.sem_alloc : memref<!tpu.dma_semaphore, #tpu.memory_space<semaphore_mem>>
      %dma_start3A_21 = arith.constant 0 : i32
      %dma_start3A_22 = tpu.memref_slice %arg4[%add3A, %dma_start3A_21] : memref<32x10000xf32, #tpu.memory_space<hbm>> -> memref<1x10000xf32, #tpu.memory_space<hbm>>
      %dma_start3A_23 = tpu.memref_squeeze %dma_start3A_22 : memref<1x10000xf32, #tpu.memory_space<hbm>> -> memref<10000xf32, #tpu.memory_space<hbm>>
      %dma_start3A_24 = arith.constant 0 : i32
      %dma_start3A_25 = tpu.memref_slice %arg4[%add3A, %dma_start3A_24] : memref<32x10000xf32, #tpu.memory_space<hbm>> -> memref<1x10000xf32, #tpu.memory_space<hbm>>
      %dma_start3A_26 = tpu.memref_squeeze %dma_start3A_25 : memref<1x10000xf32, #tpu.memory_space<hbm>> -> memref<10000xf32, #tpu.memory_space<hbm>>
      tpu.enqueue_dma source(%arg8 : memref<10000xf32, #tpu.memory_space<vmem>>) target(%dma_start3A_26 : memref<10000xf32, #tpu.memory_space<hbm>>) target_semaphore(%run_scoped3A : memref<!tpu.dma_semaphore, #tpu.memory_space<semaphore_mem>>)
      %dma_wait3A_27 = arith.constant 0 : i32
      %dma_wait3A_28 = tpu.memref_slice %arg4[%add3A, %dma_wait3A_27] : memref<32x10000xf32, #tpu.memory_space<hbm>> -> memref<1x10000xf32, #tpu.memory_space<hbm>>
      %dma_wait3A_29 = tpu.memref_squeeze %dma_wait3A_28 : memref<1x10000xf32, #tpu.memory_space<hbm>> -> memref<10000xf32, #tpu.memory_space<hbm>>
      %dma_wait3A_30 = arith.constant 0 : i32
      %dma_wait3A_31 = tpu.memref_slice %arg4[%add3A, %dma_wait3A_30] : memref<32x10000xf32, #tpu.memory_space<hbm>> -> memref<1x10000xf32, #tpu.memory_space<hbm>>
      %dma_wait3A_32 = tpu.memref_squeeze %dma_wait3A_31 : memref<1x10000xf32, #tpu.memory_space<hbm>> -> memref<10000xf32, #tpu.memory_space<hbm>>
      tpu.wait_dma2 semaphore(%run_scoped3A : memref<!tpu.dma_semaphore, #tpu.memory_space<semaphore_mem>>) src(%arg8 : memref<10000xf32, #tpu.memory_space<vmem>>) dst(%dma_wait3A_32 : memref<10000xf32, #tpu.memory_space<hbm>>)
      tpu.yield
    }) : () -> ()
    return
  }
}

module attributes {stable_mosaic.version = 14 : i64} {
  func.func @body(%arg0: memref<10000x128xf32, #tpu.memory_space<vmem>>, %arg1: memref<128x128xf32, #tpu.memory_space<vmem>>, %arg2: memref<1x128xf32, #tpu.memory_space<vmem>>, %arg3: memref<10000x128xbf16, #tpu.memory_space<vmem>>) attributes {dimension_semantics = [], scalar_prefetch = 0 : i64, scratch_operands = 0 : i64, tpu.core_type = #tpu.core_type<tc>} {
    %get3A = arith.constant 0 : index
    %get3A_0 = arith.constant 0 : index
    %get3A_1 = vector.load %arg0[%get3A, %get3A_0] : memref<10000x128xf32, #tpu.memory_space<vmem>>, vector<10000x128xf32>
    %get3A_2 = arith.constant 0 : index
    %get3A_3 = arith.constant 0 : index
    %get3A_4 = vector.load %arg1[%get3A_2, %get3A_3] : memref<128x128xf32, #tpu.memory_space<vmem>>, vector<128x128xf32>
    %dot_general3A = arith.constant dense<0.000000e+00> : vector<10000x128xf32>
    %dot_general3A_5 = tpu.matmul %get3A_1, %get3A_4, %dot_general3A {dimension_numbers = #tpu.dot_dimension_numbers<[1], [1], [0], [0], [0, 0, 1, 0], [], []>, transpose_lhs_hint = false} : vector<10000x128xf32>, vector<128x128xf32>, vector<10000x128xf32> -> vector<10000x128xf32>
    %get3A_6 = arith.constant 0 : index
    %get3A_7 = arith.constant 0 : index
    %get3A_8 = vector.load %arg2[%get3A_6, %get3A_7] : memref<1x128xf32, #tpu.memory_space<vmem>>, vector<1x128xf32>
    %add3A = vector.broadcast %get3A_8 : vector<1x128xf32> to vector<10000x128xf32>
    %add3A_9 = arith.addf %dot_general3A_5, %add3A : vector<10000x128xf32>
    %max3A = arith.constant 0.000000e+00 : f32
    %max3A_10 = vector.broadcast %max3A : f32 to vector<10000x128xf32>
    %max3A_11 = arith.maximumf %add3A_9, %max3A_10 : vector<10000x128xf32>
    %convert_element_type3A = arith.truncf %max3A_11 : vector<10000x128xf32> to vector<10000x128xbf16>
    %swap3A = arith.constant 0 : index
    %swap3A_12 = arith.constant 0 : index
    %swap3A_13 = vector.load %arg3[%swap3A, %swap3A_12] : memref<10000x128xbf16, #tpu.memory_space<vmem>>, vector<10000x128xbf16>
    tpu.vector_store %arg3[%swap3A, %swap3A_12], %convert_element_type3A {strides = array<i32>} : memref<10000x128xbf16, #tpu.memory_space<vmem>>, vector<10000x128xbf16>,
    return
  }
}

module attributes {stable_mosaic.version = 14 : i64} {
  func.func @body(%arg0: memref<10000x128xbf16, #tpu.memory_space<vmem>>, %arg1: memref<32x10000xf32, #tpu.memory_space<vmem>>, %arg2: memref<128x128xf32, #tpu.memory_space<vmem>>, %arg3: memref<1x128xf32, #tpu.memory_space<vmem>>, %arg4: memref<1x128xf32, #tpu.memory_space<vmem>>) attributes {dimension_semantics = [], scalar_prefetch = 0 : i64, scratch_operands = 0 : i64, tpu.core_type = #tpu.core_type<tc>} {
    %get3A = arith.constant 0 : index
    %get3A_0 = arith.constant 0 : index
    %get3A_1 = vector.load %arg1[%get3A, %get3A_0] : memref<32x10000xf32, #tpu.memory_space<vmem>>, vector<32x10000xf32>
    %reduce_sum3A = arith.constant dense<0.000000e+00> : vector<10000xf32>
    %reduce_sum3A_2 = vector.multi_reduction <add>, %get3A_1, %reduce_sum3A [0] : vector<32x10000xf32> to vector<10000xf32>
    %broadcast_in_dim3A = vector.shape_cast %reduce_sum3A_2 : vector<10000xf32> to vector<1x10000xf32>
    %get3A_3 = arith.constant 0 : index
    %get3A_4 = arith.constant 0 : index
    %get3A_5 = vector.load %arg0[%get3A_3, %get3A_4] : memref<10000x128xbf16, #tpu.memory_space<vmem>>, vector<10000x128xbf16>
    %convert_element_type3A = arith.extf %get3A_5 : vector<10000x128xbf16> to vector<10000x128xf32>
    %dot_general3A = arith.constant dense<0.000000e+00> : vector<1x128xf32>
    %dot_general3A_6 = tpu.matmul %broadcast_in_dim3A, %convert_element_type3A, %dot_general3A {dimension_numbers = #tpu.dot_dimension_numbers<[1], [0], [0], [1], [0, 0, 1, 1], [], []>, transpose_lhs_hint = false} : vector<1x10000xf32>, vector<10000x128xf32>, vector<1x128xf32> -> vector<1x128xf32>
    %max3A = arith.constant 0.000000e+00 : f32
    %max3A_7 = vector.broadcast %max3A : f32 to vector<1x128xf32>
    %max3A_8 = arith.maximumf %dot_general3A_6, %max3A_7 : vector<1x128xf32>
    %get3A_9 = arith.constant 0 : index
    %get3A_10 = arith.constant 0 : index
    %get3A_11 = vector.load %arg2[%get3A_9, %get3A_10] : memref<128x128xf32, #tpu.memory_space<vmem>>, vector<128x128xf32>
    %dot_general3A_12 = arith.constant dense<0.000000e+00> : vector<1x128xf32>
    %dot_general3A_13 = tpu.matmul %max3A_8, %get3A_11, %dot_general3A_12 {dimension_numbers = #tpu.dot_dimension_numbers<[1], [1], [0], [0], [0, 0, 1, 0], [], []>, transpose_lhs_hint = false} : vector<1x128xf32>, vector<128x128xf32>, vector<1x128xf32> -> vector<1x128xf32>
    %get3A_14 = arith.constant 0 : index
    %get3A_15 = arith.constant 0 : index
    %get3A_16 = vector.load %arg3[%get3A_14, %get3A_15] : memref<1x128xf32, #tpu.memory_space<vmem>>, vector<1x128xf32>
    %add3A = arith.addf %dot_general3A_13, %get3A_16 : vector<1x128xf32>
    %swap3A = arith.constant 0 : index
    %swap3A_17 = arith.constant 0 : index
    %swap3A_18 = vector.load %arg4[%swap3A, %swap3A_17] : memref<1x128xf32, #tpu.memory_space<vmem>>, vector<1x128xf32>
    tpu.vector_store %arg4[%swap3A, %swap3A_17], %add3A {strides = array<i32>} : memref<1x128xf32, #tpu.memory_space<vmem>>, vector<1x128xf32>,
    return
  }
}

</mosaic_0001>

<sc_bundles>
// kernel: kernel.5.cloned.1.call-start
scs
__scs_entry_jumppad:
0x0: {  	(pc) =	sbr.rel $0x88, $3  }
0x1: {  	(tag) =	ssettag $0x0;
	lr =	simm.s32 $0x1  }
0x2: {  	[smem:$0x3F9A] =	sst lr;
	_ =	strace $0xD0000000  }
0x3: {  	_ = 	snop  }
0x4: {  	_ = 	snop  }
0x5: {  	_ = 	snop  }
0x6: {  	_ = 	snop  }
0x7: {  	_ = 	snop  }
__scs_overlays_trampoline_lowered:
0x8: {  	[smem:$0x3FA9] =	sst s0  }
0x9: {  	[smem:$0x3FAA] =	sst s1  }
0xa: {  	[smem:$0x3FAB] =	sst s2  }
0xb: {  	[smem:$0x3FAC] =	sst s3  }
0xc: {  	[smem:$0x3FAD] =	sst s4  }
0xd: {  	[smem:$0x3FAE] =	sst s5  }
0xe: {  	[smem:$0x3FAF] =	sst s6  }
0xf: {  	[smem:$0x3FB0] =	sst s7  }
0x10: {  	[smem:$0x3FB1] =	sst s8  }
0x11: {  	[smem:$0x3FB2] =	sst s9;
	s0 =	simm.s32 @!p0 $0x0  }
0x12: {  	s1 =	sld [smem:$0x3F98];
	s0 =	simm.s32 @p0 $0x1  }
0x13: {  	[smem:$0x3FB3] =	sst s0;
	s0 =	simm.s32 @!p1 $0x0  }
0x14: {  	s2 =	sld [smem:$0x3F97];
	s0 =	simm.s32 @p1 $0x1  }
0x15: {  	[smem:$0x3FB4] =	sst s0;
	s0 =	simm.s32 @!p2 $0x0  }
0x16: {  	s3 =	sld [smem:$0x3FDB];
	s0 =	simm.s32 @p2 $0x1  }
0x17: {  	s4 =	simm.s32 $0x1BF5;
	[smem:$0x3FB6] =	sst s0  }
0x18: {  	s0 =	sld [smem:$0x3F99];
	_ =	swait.ge [sflag:s4], $0x0  }
0x19: {  	s7 =	sld [smem:$0x3F9A]  }
0x1a: {  	s8 =	sadd.s32 $0xFFFFE003, lr  }
0x1b: {  	s9 =	sadd.s32 $0xFFFFFEF7, lr;
	s5 =	simm.s32 $0xFFFFFFFF;
	p2 =	slt.u32 s8, $0xFFFFF086  }
0x1c: {  	p1 =	slt.u32 s9, $0xF7A;
	s5 =	simm.s32 @!p2 $0x0  }
0x1d: {  	s5 =	simm.s32 @p1 $0x1;
	p0 =	seq.s32 s7, s2  }
0x1e: {  	s7 =	smul.u32 @!p0 $0xF7A, s2;
	p2 =	seq.s32 @!p0 s5, $0x0  }
0x1f: {  	s9 =	smul.u32 $0xF7A, s1;
	s8 =	simm.s32 @!p0 $0x1BF5;
	p2 =	por !p2, p0  }
0x20: {  	[sflag:s8] =	ssyncset.s32 @!p0 $0xFFFFF086;
	s6 =	sadd.s32 @!p0 s3, s7;
	s7 =	simm.s32 @!p0 $0x108  }
0x21: {  	s3 =	sadd.s32 s3, s9;
	s6 =	sadd.s32 @!p0 $0x88, s6;
	s7 =	simm.s32 @p2 $0x1082  }
0x22: {  	[simem:s7], [sflag:s8] =	dma.local @!p0 [hbm:s6], $0xF7A  }
0x23: {  	s9 =	sor.u32 $0xD0000000, s2;
	s6 =	simm.s32 $0x108;
	_ =	swait.ge @!p0 [sflag:s8], $0x0  }
0x24: {  	s3 =	sadd.s32 $0x88, s3;
	s6 =	simm.s32 @!p1 $0x1082;
	[sflag:s4] =	ssyncset.s32 $0xFFFFF086  }
0x25: {  	[simem:s6], [sflag:s4] =	dma.local [hbm:s3], $0xF7A  }
0x26: {  	[smem:$0x3F9A] =	sst s1;
	(tag) =	ssettag s2;
	_ =	strace s9  }
0x27: {  	s1 =	sld [smem:$0x3FAA]  }
0x28: {  	s2 =	sld [smem:$0x3FAB]  }
0x29: {  	s4 =	sld [smem:$0x3FAD]  }
0x2a: {  	p0 =	seq.s32 s5, $0x0;
	s5 =	sld [smem:$0x3FAE]  }
0x2b: {  	s6 =	sld [smem:$0x3FAF]  }
0x2c: {  	s7 =	sld [smem:$0x3FB0]  }
0x2d: {  	s3 =	simm.s32 $0x108;
	s8 =	sld [smem:$0x3FB1]  }
0x2e: {  	s3 =	simm.s32 @!p0 $0x1082;
	s9 =	sld [smem:$0x3FB2]  }
0x2f: {  	lr =	sadd.s32 s0, s3;
	s0 =	sld [smem:$0x3FA9]  }
0x30: {  	s3 =	sld [smem:$0x3FAC]  }
0x31: {  	[smem:$0x3FB5] =	sst s10  }
0x32: {  	s10 =	sld [smem:$0x3FB3];
	_ =	sdelay $0x3  }
0x33: {  	p0 =	seq.s32 s10, $0x1;
	s10 =	sld [smem:$0x3FB5];
	_ =	sdelay $0x3  }
0x34: {  	[smem:$0x3FB5] =	sst s10  }
0x35: {  	s10 =	sld [smem:$0x3FB4];
	_ =	sdelay $0x3  }
0x36: {  	p1 =	seq.s32 s10, $0x1;
	s10 =	sld [smem:$0x3FB5];
	_ =	sdelay $0x3  }
0x37: {  	[smem:$0x3FB5] =	sst s10  }
0x38: {  	s10 =	sld [smem:$0x3FB6]  }
0x39: {  	_ = 	snop;
	(pc) =	sbr.ind lr, $3  }
0x3a: {  	_ = 	snop  }
0x3b: {  	_ = 	snop  }
0x3c: {  	p2 =	seq.s32 s10, $0x1;
	s10 =	sld [smem:$0x3FB5]  }
0x3d: {  	_ =	shalt  }
0x3e: {  	_ =	shalt  }
0x3f: {  	_ =	shalt  }
0x40: {  	_ =	shalt  }
0x41: {  	_ =	shalt  }
0x42: {  	_ =	shalt  }
0x43: {  	_ =	shalt  }
0x44: {  	_ =	shalt  }
0x45: {  	_ =	shalt  }
0x46: {  	_ =	shalt  }
0x47: {  	_ =	shalt  }
0x48: {  	_ =	shalt  }
0x49: {  	_ =	shalt  }
0x4a: {  	_ =	shalt  }
0x4b: {  	_ =	shalt  }
0x4c: {  	_ =	shalt  }
0x4d: {  	_ =	shalt  }
0x4e: {  	_ =	shalt  }
0x4f: {  	_ =	shalt  }
0x50: {  	_ =	shalt  }
0x51: {  	_ =	shalt  }
0x52: {  	_ =	shalt  }
0x53: {  	_ =	shalt  }
0x54: {  	_ =	shalt  }
0x55: {  	_ =	shalt  }
0x56: {  	_ =	shalt  }
0x57: {  	_ =	shalt  }
0x58: {  	_ =	shalt  }
0x59: {  	_ =	shalt  }
0x5a: {  	_ =	shalt  }
0x5b: {  	_ =	shalt  }
0x5c: {  	_ =	shalt  }
0x5d: {  	_ =	shalt  }
0x5e: {  	_ =	shalt  }
0x5f: {  	_ =	shalt  }
0x60: {  	_ =	shalt  }
0x61: {  	_ =	shalt  }
0x62: {  	_ =	shalt  }
0x63: {  	_ =	shalt  }
0x64: {  	_ =	shalt  }
0x65: {  	_ =	shalt  }
0x66: {  	_ =	shalt  }
0x67: {  	_ =	shalt  }
0x68: {  	_ =	shalt  }
0x69: {  	_ =	shalt  }
0x6a: {  	_ =	shalt  }
0x6b: {  	_ =	shalt  }
0x6c: {  	_ =	shalt  }
0x6d: {  	_ =	shalt  }
0x6e: {  	_ =	shalt  }
0x6f: {  	_ =	shalt  }
0x70: {  	_ =	shalt  }
0x71: {  	_ =	shalt  }
0x72: {  	_ =	shalt  }
0x73: {  	_ =	shalt  }
0x74: {  	_ =	shalt  }
0x75: {  	_ =	shalt  }
0x76: {  	_ =	shalt  }
0x77: {  	_ =	shalt  }
0x78: {  	_ =	shalt  }
0x79: {  	_ =	shalt  }
0x7a: {  	_ =	shalt  }
0x7b: {  	_ =	shalt  }
0x7c: {  	_ =	shalt  }
0x7d: {  	_ =	shalt  }
0x7e: {  	_ =	shalt  }
0x7f: {  	_ =	shalt  }
0x80: {  	_ =	shalt  }
0x81: {  	_ =	shalt  }
0x82: {  	_ =	shalt  }
0x83: {  	_ =	shalt  }
0x84: {  	_ =	shalt  }
0x85: {  	_ =	shalt  }
0x86: {  	_ =	shalt  }
0x87: {  	_ =	shalt  }
.Lfunc_end0:
.L_simem_size_0:
called_computation_lowered:
.L_overlay_start_0:
0x88: {  	s2 =	sld [smem:$0x3FD9]  }
0x89: {  	s3 =	sld [smem:$0x3FFE];
	_ =	sdelay $0x1  }
0x8a: {  	s1 =	srdreg.scid  }
0x8b: {  	s0 =	sand.u32 $0x1, s1  }
0x8c: {  	s17 =	sshll.u32 s0, $0xA;
	s2 =	sadd.s32 s3, s2  }
0x8d: {  	s2 =	sadd.s32 s2, s17  }
0x8e: {  	[smem:$0x3FC1] =	sst s2  }
0x8f: {  	_ = 	snop  }
0x90: {  	s2 =	sld [smem:$0x3FC7];
	(tm) =	ssettm $0x1  }
0x91: {  	s18 =	sld [smem:$0x3FFB];
	_ =	sdelay $0x3  }
0x92: {  	_ =	strace s18  }
0x93: {  	s3 =	sld [smem:$0x3FFC];
	_ =	sdelay $0x3  }
0x94: {  	_ =	strace s3  }
0x95: {  	s3 =	sld [smem:$0x3FFD];
	_ =	sdelay $0x3  }
0x96: {  	_ =	strace s3  }
0x97: {  	_ =	strace $0x8FFFFFFF  }
0x98: {  	s19 =	sld [smem:$0x3FDB];
	_ =	sdelay $0x1  }
0x99: {  	s4 =	simm.s32 $_scs_section_size  }
0x9a: {  	s5 =	simm.s32 $_size__tile_overlayer_lowered;
	s6 =	simm.s32 $_tile_overlayer_lowered  }
0x9b: {  	s22 =	simm.s32 $0x1BFF;
	s21 =	sshll.u32 s6, $0x1;
	s3 =	sadd.s32 s4, s19  }
0x9c: {  	s7 =	simm.s32 $0x0;
	s20 =	sshll.u32 s5, $0x1;
	s5 =	sadd.s32 s21, s3  }
0x9d: {  	[timem:s7], [sflag:s22] =	dma.local [hbm:s5], s20  }
0x9e: {  	_ =	swait.ge [sflag:s22], s20  }
0x9f: {  	s4 =	ssub.s32 $0x0, s20;
	[sflag:s22] =	ssyncset.done $0x0  }
0xa0: {  	[sflag:s22] =	ssyncadd.s32 s4;
	_ =	sdelay $0x1  }
0xa1: {  	s23 =	simm.s32 $0x1B8B  }
0xa2: {  	_ =	swait.ge [sflag:s23], $0x1  }
0xa3: {  	[sflag:s23] =	ssyncset.done $0x0  }
0xa4: {  	s25 =	simm.s32 $0x1B8E;
	s24 =	sld [smem:$0x3FFE];
	[sflag:s23] =	ssyncadd.s32 $0xFFFFFFFF  }
0xa5: {  	s26 =	simm.s32 $execute0_lowered;
	[smem:$0x3FD2] =	sst s25  }
0xa6: {  	s5 =	sshll.u32 s26, $0x1;
	_ =	strace $0x80000046;
	[dreg:$0x1] =	wrdreg $0xFFFFFFFF  }
0xa7: {  	s28 =	simm.s32 $_size_execute0_lowered;
	s3 =	sadd.s32 s3, s5;
	[dreg:$0x0] =	wrdreg $0x0  }
0xa8: {  	s5 =	sshll.u32 s28, $0x1;
	[dreg:$0x2] =	wrdreg s3  }
0xa9: {  	[dreg:$0x3] =	wrdreg s5  }
0xaa: {  	[dreg:$0x4] =	wrdreg $0xC0  }
0xab: {  	_ =	task [dreg:s7], $0x5FFFF  }
0xac: {  	[dreg:$0x1] =	wrdreg $0xFFFFFFFF  }
0xad: {  	[dreg:$0x0] =	wrdreg $0x60  }
0xae: {  	[dreg:$0x2] =	wrdreg s24  }
0xaf: {  	[dreg:$0x3] =	wrdreg s2  }
0xb0: {  	[dreg:$0x4] =	wrdreg $0x9  }
0xb1: {  	_ =	task.clear_ibuf [dreg:s7], $0x5FFFF;
	_ =	strace $0x90000046  }
0xb2: {  	s29 =	simm.s32 $0x9;
	_ =	strace $0x80000048  }
0xb3: {  	_ =	swait.ge [sflag:s29], $0x1  }
0xb4: {  	[sflag:s29] =	ssyncadd.s32 $0xFFFFFFFF  }
0xb5: {  	_ =	strace $0x90000048  }
0xb6: {  	_ =	sfence  }
0xb7: {  	s30 =	sld [smem:$0x0];
	_ =	sdelay $0x2  }
0xb8: {  	s31 =	sshll.u32 s1, $0xD;
	s1 =	sshrl.u32 s1, $0x2  }
0xb9: {  	s3 =	sand.u32 $0x4000, s31;
	s1 =	sadd.s32 s1, s30  }
0xba: {  	s0 =	sor.u32 s3, s0;
	s1 =	sshll.u32 s1, $0x11  }
0xbb: {  	s0 =	sor.u32 s1, s0  }
0xbc: {  	s0 =	sadd.s32 $0x8F2B, s0  }
0xbd: {  	[sflag:s0] =	ssyncadd.remote.s32 $0x1  }
0xbe: {  	_ =	sfence.sel $0xFFFF  }
0xbf: {  	[dreg:$0x0] =	wrdreg $0xFFFFFFFF;
	(pc) =	sbr.abs _section_cstart, $3  }
0xc0: {  	[dreg:$0x1] =	wrdreg $0xFFFFFFFF  }
0xc1: {  	_ =	task.clear_ibuf [dreg:s7], $0x2FFFF;
	_ =	strace $0x9FFFFFFF  }
0xc2: {  	(tm) =	ssettm $0x7FFFFFFF  }
0xc3: {  	_ =	shalt  }
tec
execute0_lowered:
.L_overlay_start_1:
0x0: {  	(tag) =	ssettag $0x1  }
0x1: {  	s3 =	rddreg [dreg:$0x0]  }
0x2: {  	s1 =	srdreg.scid;
	s0 =	stileid.u32  }
0x3: {  	s5 =	rddreg [dreg:$0x1];
	s10 =	simm.s32 $0x1;
	s11 =	simm.s32 $0x2  }
0x4: {  	s12 =	simm.s32 $0x3;
	s13 =	simm.s32 $0x7680;
	s14 =	simm.s32 $0x80  }
0x5: {  	s15 =	simm.s32 $0x400;
	s16 =	simm.s32 $0x4;
	s17 =	simm.s32 $0x0  }
0x6: {  	s4 =	sand.u32 $0x1, s1;
	s2 =	sshll.u32 s0, $0x1;
	s1 =	rddreg [dreg:$0x2]  }
0x7: {  	s7 =	sshrl.u32 s0, $0x2;
	s6 =	sor.u32 s4, s2;
	s2 =	simm.s32 $0x0  }
0x8: {  	s7 =	smul.u32 $0x13C00, s7;
	s4 =	ssub.s32 $0x2, s4;
	s8 =	sshll.u32 s6, $0x7  }
0x9: {  	[smem:$0x7FF] =	sst s2;
	s6 =	smul.u32 $0x2710, s6;
	s8 =	sand.u32 $0x380, s8  }
0xa: {  	s31 =	sshrl.u32 s4, $0x1;
	_ =	strace $0x80000047;
	s7 =	sor.u32 s7, s8  }
0xb: {  	s6 =	sshrl.u32 s6, $0x3;
	s8 =	ssub.s32 s4, s31;
	s7 =	sshrl.u32 s7, $0x3  }
0xc: {  	s9 =	sadd.s32 s6, s3;
	s5 =	sadd.s32 s5, s6;
	s7 =	sadd.s32 s7, s3  }
0xd: {  	s3 =	sadd.s32 $0x1600, s9;
	s4 =	sadd.s32 $0xB240, s9;
	s9 =	simm.s32 $0x4F00  }
0xe: {  	v0 =	vimm.f32 $0.0e+00;
	s6 =	sadd.s32 $0x15000, s7;
	s7 =	smax.u32 s8, $0x1;
	s8 =	simm.s32 $0x2780  }
.LBB2_1:
0xf: {  	[tilespmem:s2], [sflag:$0x1] =	stream.linear.gather [hbm4b:s3+s2], $0x2710, $0x38;
	[tilespmem:$0x9E00] =	vst v63  }
0x10: {  	_ = 	snop  }
0x11: {  	[tilespmem:s8], [sflag:$0x2] =	stream.linear.gather [hbm4b:s4+s2], $0x2710, $0x38;
	[tilespmem:$0x9E00] =	vst v63  }
0x12: {  	s18 =	simm.s32 $0x76C0  }
0x13: {  	[tilespmem:s9], [sflag:$0x3] =	stream.linear.gather [hbm4b:s5+s2], $0x2710, $0x38;
	[tilespmem:$0x9E00] =	vst v63  }
0x14: {  	[tilespmem:s18+$0xFFFFFFC0] =	vst v0  }
0x15: {  	[tilespmem:s18+$0x30] =	vst v0  }
0x16: {  	[tilespmem:s18+$0x20] =	vst v0  }
0x17: {  	[tilespmem:s18+$0x10] =	vst v0  }
0x18: {  	[tilespmem:s18+$0x0] =	vst v0  }
0x19: {  	[tilespmem:s18+$0xFFFFFFF0] =	vst v0  }
0x1a: {  	s19 =	simm.s32 $0x0;
	[tilespmem:s18+$0xFFFFFFE0] =	vst v0  }
.LBB2_2:
0x1b: {  	s19 =	sadd.s32 $0x8, s19;
	[tilespmem:s18+$0xFFFFFFD0] =	vst v0;
	s18 =	sadd.s32 $0x80, s18  }
0x1c: {  	[tilespmem:s18+$0xFFFFFFC0] =	vst v0;
	p0 =	slt.u32 s19, $0x268  }
0x1d: {  	[tilespmem:s18+$0x30] =	vst v0  }
.Ltmp0:
0x1e: {  	[tilespmem:s18+$0x20] =	vst v0;
	(pc) =	sbr.rel @p0 .LBB2_2-.Ltmp0, $4  }
0x1f: {  	[tilespmem:s18+$0x10] =	vst v0  }
0x20: {  	[tilespmem:s18+$0x0] =	vst v0  }
0x21: {  	[tilespmem:s18+$0xFFFFFFF0] =	vst v0  }
0x22: {  	[tilespmem:s18+$0xFFFFFFE0] =	vst v0  }
0x23: {  	[tilespmem:s18+$0xFFFFFFD0] =	vst v0  }
0x24: {  	[tilespmem:$0x9D80] =	vst v0  }
0x25: {  	_ =	swait.ge [sflag:s10], $0x2710  }
0x26: {  	[sflag:s10] =	ssyncset.done $0x0  }
0x27: {  	[sflag:s10] =	ssyncadd.s32 $0xFFFFD8F0  }
0x28: {  	_ =	swait.ge [sflag:s11], $0x2710  }
0x29: {  	[sflag:s11] =	ssyncset.done $0x0  }
0x2a: {  	[sflag:s11] =	ssyncadd.s32 $0xFFFFD8F0  }
0x2b: {  	_ =	swait.ge [sflag:s12], $0x2710  }
0x2c: {  	[sflag:s12] =	ssyncset.done $0x0  }
0x2d: {  	s20 =	simm.s32 $0x27A0;
	[sflag:s12] =	ssyncadd.s32 $0xFFFFD8F0  }
0x2e: {  	v1 =	vld [tilespmem:s20+$0x20]  }
0x2f: {  	v2 =	vld [tilespmem:s20+$0xFFFFFFF0]  }
0x30: {  	s18 =	simm.s32 $0x20;
	v3 =	vld [tilespmem:s20+$0x0]  }
0x31: {  	v4 =	vld [tilespmem:s18+$0x20]  }
0x32: {  	v5 =	vld [tilespmem:s20+$0xFFFFFFE0]  }
0x33: {  	v6 =	vld [tilespmem:s20+$0x10]  }
0x34: {  	v7 =	vld [tilespmem:s18+$0xFFFFFFE0]  }
0x35: {  	v8 =	vld [tilespmem:s18+$0xFFFFFFF0]  }
0x36: {  	s19 =	simm.s32 $0x4F20;
	v9 =	vld [tilespmem:s18+$0x0];
	vm0 =	veq.s32 v1, $0x0  }
0x37: {  	v1 =	vld [tilespmem:s19+$0x20]  }
0x38: {  	v62 =	vld [tilespmem:s19+$0xFFFFFFE0];
	vm1 =	veq.s32 v5, $0x0  }
0x39: {  	v63 =	vld [tilespmem:s19+$0x0];
	vm2 =	veq.s32 v2, $0x0  }
0x3a: {  	vm3 =	veq.s32 v3, $0x0;
	v3 =	vld [tilespmem:s19+$0xFFFFFFF0]  }
0x3b: {  	v2 =	vld [tilespmem:s19+$0x10]  }
0x3c: {  	[tilespmem:v4+s13+$0x0] =	vst.idx.add.f32.msk vm0, v1  }
0x3d: {  	v1 =	vld [tilespmem:s18+$0x10]  }
0x3e: {  	[tilespmem:v7+s13+$0x0] =	vst.idx.add.f32.msk vm1, v62  }
0x3f: {  	vm0 =	veq.s32 v6, $0x0;
	[tilespmem:v8+s13+$0x0] =	vst.idx.add.f32.msk vm2, v3  }
0x40: {  	s21 =	simm.s32 $0x27F0;
	s20 =	simm.s32 $0x0;
	[tilespmem:v9+s13+$0x0] =	vst.idx.add.f32.msk vm3, v63;
	vm0 =	vmmov vm0  }
.LBB2_4:
0x41: {  	v3 =	vld [tilespmem:s21+$0x20];
	s20 =	sadd.s32 $0x5, s20;
	v4 =	vmov v2  }
0x42: {  	v2 =	vld [tilespmem:s21+$0xFFFFFFF0];
	p0 =	slt.u32 s20, $0x26C  }
0x43: {  	s18 =	sadd.s32 $0x50, s18;
	v5 =	vld [tilespmem:s21+$0x0]  }
0x44: {  	v6 =	vld [tilespmem:s18+$0x20]  }
0x45: {  	v7 =	vld [tilespmem:s21+$0x10]  }
0x46: {  	s19 =	sadd.s32 $0x50, s19;
	v8 =	vld [tilespmem:s21+$0xFFFFFFE0];
	vm1 =	veq.s32 v3, $0x0  }
0x47: {  	vm2 =	veq.s32 v2, $0x0;
	v2 =	vld [tilespmem:s19+$0x20]  }
0x48: {  	v3 =	vld [tilespmem:s18+$0xFFFFFFE0];
	vm3 =	veq.s32 v5, $0x0  }
0x49: {  	v5 =	vld [tilespmem:s18+$0xFFFFFFF0]  }
0x4a: {  	v9 =	vld [tilespmem:s18+$0x0];
	vm4 =	veq.s32 v7, $0x0  }
0x4b: {  	vm5 =	veq.s32 v8, $0x0;
	v7 =	vld [tilespmem:s18+$0x10]  }
0x4c: {  	[tilespmem:v6+s13+$0x0] =	vst.idx.add.f32.msk vm1, v2  }
0x4d: {  	v6 =	vld [tilespmem:s19+$0xFFFFFFE0]  }
0x4e: {  	v8 =	vld [tilespmem:s19+$0xFFFFFFF0]  }
0x4f: {  	v10 =	vld [tilespmem:s19+$0x0]  }
.Ltmp1:
0x50: {  	v2 =	vld [tilespmem:s19+$0x10];
	(pc) =	sbr.rel @p0 .LBB2_4-.Ltmp1, $4  }
0x51: {  	[tilespmem:v1+s13+$0x0] =	vst.idx.add.f32.msk vm0, v4;
	v1 =	vmov v7;
	vm0 =	vmmov vm4  }
0x52: {  	[tilespmem:v3+s13+$0x0] =	vst.idx.add.f32.msk vm5, v6  }
0x53: {  	[tilespmem:v5+s13+$0x0] =	vst.idx.add.f32.msk vm2, v8  }
0x54: {  	s21 =	sadd.s32 $0x50, s21;
	[tilespmem:v9+s13+$0x0] =	vst.idx.add.f32.msk vm3, v10  }
0x55: {  	_ =	sdelay $0x2  }
0x56: {  	s17 =	sadd.s32 $0x1, s17  }
0x57: {  	p0 =	sne.s32 s17, s7  }
.Ltmp2:
0x58: {  	[tilespmem:v1+s13+$0x0] =	vst.idx.add.f32.msk vm0, v2;
	(pc) =	sbr.rel @p0 .LBB2_1-.Ltmp2, $4  }
0x59: {  	[hbm4b:s6+s14] =	stream.strided.scatter [tilespmem:s13], [sflag:$0x4], $0x2780, s15, s14, $0x38;
	[tilespmem:$0x9E00] =	vst v63  }
0x5a: {  	_ =	swait.ge [sflag:s16], $0x2780  }
0x5b: {  	[sflag:s16] =	ssyncset.done $0x0  }
0x5c: {  	[sflag:s16] =	ssyncadd.s32 $0xFFFFD880  }
0x5d: {  	_ =	sfence.sel $0x180000  }
0x5e: {  	[bflag:$0x0] =	sbarrier.arrive $0xFFFF  }
0x5f: {  	p0 =	sne.s32 s0, $0x0;
	_ =	strace $0x90000047  }
0x60: {  	s0 =	sadd.s32 @!p0 $0x100000, s1;
	[bflag:$0x2] =	sbarrier.arrive $0xFFFF  }
0x61: {  	[sflag:s0] =	ssyncadd.tile.s32 @!p0 $0x1;
	_ =	shalt  }
.Lfunc_end2:
_tile_overlayer_lowered:
.L_overlay_start_2:
0x62: {  	(tag) =	ssettag $0x2  }
0x63: {  	s0 =	rddreg [dreg:$0x0];
	s2 =	stileid.u32  }
0x64: {  	s1 =	rddreg [dreg:$0x1];
	p0 =	sne.s32 s2, $0x0  }
0x65: {  	s3 =	rddreg [dreg:$0x2];
	[bflag:$0x3] =	sbarrier.arrive $0xFFFF;
	s2 =	simm.s32 @!p0 $0x1C04  }
0x66: {  	[timem:s3], [sflag:s2] =	dma.local @!p0 [hbm:s0], s1  }
0x67: {  	s0 =	simm.s32 @!p0 $0x4  }
0x68: {  	_ =	swait.ge @!p0 [sflag:s0], s1  }
0x69: {  	s1 =	ssub.s32 @!p0 $0x0, s1;
	[sflag:s0] =	ssyncset.done @!p0 $0x0  }
0x6a: {  	[sflag:s0] =	ssyncadd.s32 @!p0 s1  }
0x6b: {  	[bflag:$0x3] =	sbarrier.arrive $0xFFFF  }
0x6c: {  	_ =	shalt  }

</sc_bundles>
